<compile_context>
chip_gen: v7x
topology: tpu7x:2x2x1
jax: 0.10.2.dev20260603
libtpu: 0.0.44.dev20260713+nightly
codegen_flags: <defaults>
</compile_context>

<pallas_src>
import functools

import jax
import jax.numpy as jnp
from jax import lax
from jax.experimental import pallas as pl
from jax.experimental.pallas import tpu as pltpu
from jax.experimental.pallas import tpu_sc as plsc

_NPOOL = 64
_TOPK = 2
_DSCALE = 0.01
_DOT = functools.partial(
    jax.lax.dot_general,
    dimension_numbers=(((1,), (0,)), ((), ())),
    preferred_element_type=jnp.float32)


def _router_block(x_ref, W1_ref, b1_ref, W2_ref, b2_ref, temp_ref, Wp_ref,
                  bp_ref, gamma_ref, beta_ref, Wma_ref, Wmb_ref, bm_ref,
                  pool_ref, out_ref, wmat_ref):
    xb = x_ref[...]

    inter = jnp.maximum(_DOT(xb, W1_ref[...]) + b1_ref[...], 0.0)
    logits = _DOT(inter, W2_ref[...]) + b2_ref[...]

    temp = jnp.clip(temp_ref[0, 0], 0.1, 5.0)
    scaled = jnp.clip(logits / temp, -10.0, 10.0)

    col = jax.lax.broadcasted_iota(jnp.int32, scaled.shape, 1)
    m1 = jnp.max(scaled, axis=-1, keepdims=True)
    idx1 = jnp.min(jnp.where(scaled == m1, col, _NPOOL), axis=-1,
                   keepdims=True)
    masked = jnp.where(col == idx1, -jnp.inf, scaled)
    m2 = jnp.max(masked, axis=-1, keepdims=True)
    idx2 = jnp.min(jnp.where(masked == m2, col, _NPOOL), axis=-1,
                   keepdims=True)
    e2 = jnp.exp(m2 - m1)
    denom = 1.0 + e2
    w1 = 1.0 / denom
    w2 = e2 / denom
    wmat = (jnp.where(col == idx1, w1, 0.0)
            + jnp.where(col == idx2, w2, 0.0))
    wmat_ref[...] = wmat

    wmap = _DOT(wmat, pool_ref[...])

    px = _DOT(xb, Wp_ref[...]) + bp_ref[...]
    mu = jnp.mean(px, axis=-1, keepdims=True)
    var = jnp.mean((px - mu) ** 2, axis=-1, keepdims=True)
    ln = ((px - mu) / jnp.sqrt(var + 1e-5)) * gamma_ref[...] + beta_ref[...]

    out_ref[...] = (_DOT(ln, Wma_ref[...])
                    + _DOT(wmap, Wmb_ref[...]) + bm_ref[...])


def _sc_usage(wmat_hbm, part_hbm, wv, acc, *, nc):
    c = lax.axis_index("c")
    s = lax.axis_index("s")
    wid = s * nc + c
    rows = wv.shape[0]
    base = wid * rows
    pltpu.sync_copy(wmat_hbm.at[pl.ds(base, rows)], wv)
    for j in range(_NPOOL // 16):
        acc[pl.ds(j * 16, 16)] = jnp.zeros((16,), jnp.float32)

    @pl.loop(0, rows)
    def _(r):
        for j in range(_NPOOL // 16):
            sl = pl.ds(j * 16, 16)
            acc[sl] = acc[sl] + wv[r, sl]

    pltpu.sync_copy(acc, part_hbm.at[wid])


def _loss_block(part_ref, loss_ref, *, scale):
    u = jnp.sum(part_ref[...], axis=0, keepdims=True)
    uf = u / (jnp.sum(u) + 1e-8)
    d = uf - 1.0 / _NPOOL
    loss_ref[...] = (jnp.mean(d * d) * (scale * _DSCALE)).reshape(1, 1)


def kernel(x, tensor_pool, W1, b1, W2, b2, temperature, Wp, bp, gamma, beta,
           Wm, bm):
    B, S, H = x.shape
    M = B * S
    npool, tdim = tensor_pool.shape
    inter_dim = W1.shape[1]
    BM = 512
    grid = (M // BM,)
    scale = min(1.0, float(x.size) / (npool * _TOPK))

    xf = x.reshape(M, H)
    full = lambda shape: pl.BlockSpec(shape, lambda i: (0,) * len(shape))
    out, wmat = pl.pallas_call(
        _router_block,
        grid=grid,
        in_specs=[
            pl.BlockSpec((BM, H), lambda i: (i, 0)),
            full((H, inter_dim)),
            full((1, inter_dim)),
            full((inter_dim, npool)),
            full((1, npool)),
            full((1, 1)),
            full((H, tdim)),
            full((1, tdim)),
            full((1, tdim)),
            full((1, tdim)),
            pl.BlockSpec((tdim, tdim), lambda i: (0, 0)),
            pl.BlockSpec((tdim, tdim), lambda i: (1, 0)),
            full((1, tdim)),
            full((npool, tdim)),
        ],
        out_specs=(
            pl.BlockSpec((BM, tdim), lambda i: (i, 0)),
            pl.BlockSpec((BM, npool), lambda i: (i, 0)),
        ),
        out_shape=(
            jax.ShapeDtypeStruct((M, tdim), jnp.float32),
            jax.ShapeDtypeStruct((M, npool), jnp.float32),
        ),
    )(xf, W1, b1.reshape(1, -1), W2, b2.reshape(1, -1),
      temperature.reshape(1, 1), Wp, bp.reshape(1, -1),
      gamma.reshape(1, -1), beta.reshape(1, -1), Wm,
      Wm, bm.reshape(1, -1), tensor_pool)

    info = plsc.get_sparse_core_info()
    n_tiles = info.num_cores * info.num_subcores
    rows = M // n_tiles
    sc_usage = pl.kernel(
        functools.partial(_sc_usage, nc=info.num_cores),
        out_type=jax.ShapeDtypeStruct((n_tiles, npool), jnp.float32),
        mesh=plsc.VectorSubcoreMesh(core_axis_name="c", subcore_axis_name="s"),
        scratch_types=[pltpu.VMEM((rows, npool), jnp.float32),
                       pltpu.VMEM((npool,), jnp.float32)],
    )
    parts = sc_usage(wmat)

    loss = pl.pallas_call(
        functools.partial(_loss_block, scale=scale),
        out_shape=jax.ShapeDtypeStruct((1, 1), jnp.float32),
    )(parts)
    return out.reshape(B, S, tdim), loss[0, 0]

# --- scband reference (transcript-rebuilt; emitter-appended) ---
"""Pipeline reference for scband-attention-router-49271864820179 (READ-ONLY COPY).

The authoritative reference and input builder live on the scoring server;
editing this copy changes nothing except your own understanding.
"""

import jax, jax.numpy as jnp
import numpy as np
import math

B, S, HIDDEN = 2, 4096, 2048
POOL, TDIM, TOPK = 64, 1024, 2
INTER = min(1024, POOL)
TEMP_INIT = 0.5
DSCALE = 0.01

def _linear_init(key, fan_in, fan_out):
    k1, k2 = jax.random.split(key)
    bound = 1.0 / math.sqrt(fan_in)
    W = jax.random.uniform(k1, (fan_in, fan_out), jnp.float32, -bound, bound)
    b = jax.random.uniform(k2, (fan_out,), jnp.float32, -bound, bound)
    return W, b

def setup_inputs(seed: int = 0) -> dict:
    key = jax.random.key(seed)
    ks = jax.random.split(key, 8)
    x = jax.random.normal(ks[0], (B, S, HIDDEN), jnp.float32)
    tensor_pool = jax.random.normal(ks[1], (POOL, TDIM), jnp.float32)
    W1, b1 = _linear_init(ks[2], HIDDEN, INTER)
    W2, b2 = _linear_init(ks[3], INTER, POOL)
    Wp, bp = _linear_init(ks[4], HIDDEN, TDIM)
    Wm, bm = _linear_init(ks[5], 2 * TDIM, TDIM)
    temperature = jnp.array(TEMP_INIT, jnp.float32)
    gamma = jnp.ones((TDIM,), jnp.float32)
    beta = jnp.zeros((TDIM,), jnp.float32)
    return {"x": x, "tensor_pool": tensor_pool, "W1": W1, "b1": b1,
            "W2": W2, "b2": b2, "temperature": temperature,
            "Wp": Wp, "bp": bp, "gamma": gamma, "beta": beta,
            "Wm": Wm, "bm": bm}

def _layernorm(h, gamma, beta, eps=1e-5):
    mu = jnp.mean(h, axis=-1, keepdims=True)
    var = jnp.mean((h - mu) ** 2, axis=-1, keepdims=True)
    return (h - mu) / jnp.sqrt(var + eps) * gamma + beta

def reference(x, tensor_pool, W1, b1, W2, b2, temperature, Wp, bp, gamma, beta, Wm, bm):
    inter = jax.nn.relu(x @ W1 + b1)
    logits = inter @ W2 + b2
    temp = jnp.clip(temperature, 0.1, 5.0)
    scaled_logits = jnp.clip(logits / temp, -10.0, 10.0)
    topk_logits, topk_indices = jax.lax.top_k(scaled_logits, TOPK)
    topk_weights = jax.nn.softmax(topk_logits, axis=-1)
    experts_out = tensor_pool[topk_indices]  # [B, S, K, TDIM]
    weighted_map = jnp.einsum('bsk,bskd->bsd', topk_weights, experts_out)
    projected_x = _layernorm(x @ Wp + bp, gamma, beta)
    combined = jnp.concatenate([projected_x, weighted_map], axis=-1)
    transformation = combined @ Wm + bm
    flat_indices = topk_indices.reshape(-1)
    flat_weights = topk_weights.reshape(-1)
    usage = jnp.zeros((POOL,), jnp.float32).at[flat_indices].add(flat_weights)
    usage_fraction = usage / (usage.sum() + 1e-8)
    uniform_target = jnp.full_like(usage_fraction, 1.0 / POOL)
    scale = min(1.0, x.size / (POOL * TOPK))
    diversity_loss = jnp.mean((usage_fraction - uniform_target) ** 2) * scale
    diversity_loss = diversity_loss * DSCALE
    return (transformation, diversity_loss)

if __name__ == "__main__":
    import jax
    _d = setup_inputs()
    print(jax.jit(kernel)(*tuple(_d.values())))

</pallas_src>

<mosaic_0001>
#map = affine_map<(d0, d1) -> (0, 0)>
module attributes {stable_mosaic.version = 14 : i64} {
  func.func @_sc_usage(%arg0: i32, %arg1: i32, %arg2: memref<8192x64xf32, #tpu.memory_space<hbm>>, %arg3: memref<32x64xf32, #tpu.memory_space<hbm>>, %arg4: memref<256x64xf32, #tpu.memory_space<vmem>>, %arg5: memref<64xf32, #tpu.memory_space<vmem>>) attributes {dimension_semantics = [#tpu.dimension_semantics<core_parallel>, #tpu.dimension_semantics<subcore_parallel>], iteration_bounds = array<i64: 2, 16>, scalar_prefetch = 0 : i64, scratch_operands = 2 : i64, tpu.core_type = #tpu.core_type<sc_vector_subcore>, window_params = [{transform_indices = #map}, {transform_indices = #map}]} {
    %mul3A = arith.constant 2 : i32
    %mul3A_0 = arith.muli %arg1, %mul3A : i32
    %add3A = arith.addi %mul3A_0, %arg0 : i32
    %mul3A_1 = arith.constant 256 : i32
    %mul3A_2 = arith.muli %add3A, %mul3A_1 : i32
    "tpu.region"() ({
      %run_scoped3A = tpu.sem_alloc : memref<!tpu.dma_semaphore, #tpu.memory_space<semaphore_mem>>
      %dma_start3A = arith.constant 0 : i32
      %dma_start3A_29 = tpu.memref_slice %arg2[%mul3A_2, %dma_start3A] : memref<8192x64xf32, #tpu.memory_space<hbm>> -> memref<256x64xf32, #tpu.memory_space<hbm>>
      %dma_start3A_30 = arith.constant 0 : i32
      %dma_start3A_31 = tpu.memref_slice %arg2[%mul3A_2, %dma_start3A_30] : memref<8192x64xf32, #tpu.memory_space<hbm>> -> memref<256x64xf32, #tpu.memory_space<hbm>>
      tpu.enqueue_dma source(%dma_start3A_31 : memref<256x64xf32, #tpu.memory_space<hbm>>) target(%arg4 : memref<256x64xf32, #tpu.memory_space<vmem>>) target_semaphore(%run_scoped3A : memref<!tpu.dma_semaphore, #tpu.memory_space<semaphore_mem>>)
      %dma_wait3A = arith.constant 0 : i32
      %dma_wait3A_32 = tpu.memref_slice %arg2[%mul3A_2, %dma_wait3A] : memref<8192x64xf32, #tpu.memory_space<hbm>> -> memref<256x64xf32, #tpu.memory_space<hbm>>
      %dma_wait3A_33 = arith.constant 0 : i32
      %dma_wait3A_34 = tpu.memref_slice %arg2[%mul3A_2, %dma_wait3A_33] : memref<8192x64xf32, #tpu.memory_space<hbm>> -> memref<256x64xf32, #tpu.memory_space<hbm>>
      tpu.wait_dma2 semaphore(%run_scoped3A : memref<!tpu.dma_semaphore, #tpu.memory_space<semaphore_mem>>) src(%dma_wait3A_34 : memref<256x64xf32, #tpu.memory_space<hbm>>) dst(%arg4 : memref<256x64xf32, #tpu.memory_space<vmem>>)
      tpu.yield
    }) : () -> ()
    %broadcast_in_dim3A = arith.constant 0.000000e+00 : f32
    %broadcast_in_dim3A_3 = vector.broadcast %broadcast_in_dim3A : f32 to vector<16xf32>
    %swap3A = arith.constant 0 : index
    %swap3A_4 = tpu.vector_load %arg5[%swap3A] {strides = array<i32>} : memref<64xf32, #tpu.memory_space<vmem>>, vector<16xf32>,
    %swap3A_5 = vector.shape_cast %swap3A_4 : vector<16xf32> to vector<16xf32>
    %swap3A_6 = vector.shape_cast %broadcast_in_dim3A_3 : vector<16xf32> to vector<16xf32>
    tpu.vector_store %arg5[%swap3A], %swap3A_6 {strides = array<i32>} : memref<64xf32, #tpu.memory_space<vmem>>, vector<16xf32>,
    %broadcast_in_dim3A_7 = arith.constant 0.000000e+00 : f32
    %broadcast_in_dim3A_8 = vector.broadcast %broadcast_in_dim3A_7 : f32 to vector<16xf32>
    %swap3A_9 = arith.constant 16 : index
    %swap3A_10 = tpu.vector_load %arg5[%swap3A_9] {strides = array<i32>} : memref<64xf32, #tpu.memory_space<vmem>>, vector<16xf32>,
    %swap3A_11 = vector.shape_cast %swap3A_10 : vector<16xf32> to vector<16xf32>
    %swap3A_12 = vector.shape_cast %broadcast_in_dim3A_8 : vector<16xf32> to vector<16xf32>
    tpu.vector_store %arg5[%swap3A_9], %swap3A_12 {strides = array<i32>} : memref<64xf32, #tpu.memory_space<vmem>>, vector<16xf32>,
    %broadcast_in_dim3A_13 = arith.constant 0.000000e+00 : f32
    %broadcast_in_dim3A_14 = vector.broadcast %broadcast_in_dim3A_13 : f32 to vector<16xf32>
    %swap3A_15 = arith.constant 32 : index
    %swap3A_16 = tpu.vector_load %arg5[%swap3A_15] {strides = array<i32>} : memref<64xf32, #tpu.memory_space<vmem>>, vector<16xf32>,
    %swap3A_17 = vector.shape_cast %swap3A_16 : vector<16xf32> to vector<16xf32>
    %swap3A_18 = vector.shape_cast %broadcast_in_dim3A_14 : vector<16xf32> to vector<16xf32>
    tpu.vector_store %arg5[%swap3A_15], %swap3A_18 {strides = array<i32>} : memref<64xf32, #tpu.memory_space<vmem>>, vector<16xf32>,
    %broadcast_in_dim3A_19 = arith.constant 0.000000e+00 : f32
    %broadcast_in_dim3A_20 = vector.broadcast %broadcast_in_dim3A_19 : f32 to vector<16xf32>
    %swap3A_21 = arith.constant 48 : index
    %swap3A_22 = tpu.vector_load %arg5[%swap3A_21] {strides = array<i32>} : memref<64xf32, #tpu.memory_space<vmem>>, vector<16xf32>,
    %swap3A_23 = vector.shape_cast %swap3A_22 : vector<16xf32> to vector<16xf32>
    %swap3A_24 = vector.shape_cast %broadcast_in_dim3A_20 : vector<16xf32> to vector<16xf32>
    tpu.vector_store %arg5[%swap3A_21], %swap3A_24 {strides = array<i32>} : memref<64xf32, #tpu.memory_space<vmem>>, vector<16xf32>,
    %scan3A = arith.constant 0 : i32
    %scan3A_25 = arith.constant 256 : i32
    %scan3A_26 = arith.addi %scan3A, %scan3A_25 : i32
    %scan3A_27 = arith.constant 1 : i32
    scf.for %scan3A_29 = %scan3A to %scan3A_26 step %scan3A_27  : i32 {
      %mul3A_30 = arith.constant 1 : i32
      %mul3A_31 = arith.muli %scan3A_29, %mul3A_30 : i32
      %add3A_32 = arith.constant 0 : i32
      %add3A_33 = arith.addi %add3A_32, %mul3A_31 : i32
      %get3A = arith.constant 0 : index
      %get3A_34 = tpu.vector_load %arg5[%get3A] {strides = array<i32>} : memref<64xf32, #tpu.memory_space<vmem>>, vector<16xf32>,
      %get3A_35 = vector.shape_cast %get3A_34 : vector<16xf32> to vector<16xf32>
      %get3A_36 = arith.index_cast %add3A_33 : i32 to index
      %get3A_37 = arith.constant 0 : index
      %get3A_38 = tpu.vector_load %arg4[%get3A_36, %get3A_37] {strides = array<i32>} : memref<256x64xf32, #tpu.memory_space<vmem>>, vector<1x16xf32>,
      %get3A_39 = vector.shape_cast %get3A_38 : vector<1x16xf32> to vector<16xf32>
      %add3A_40 = arith.addf %get3A_35, %get3A_39 : vector<16xf32>
      %swap3A_41 = arith.constant 0 : index
      %swap3A_42 = tpu.vector_load %arg5[%swap3A_41] {strides = array<i32>} : memref<64xf32, #tpu.memory_space<vmem>>, vector<16xf32>,
      %swap3A_43 = vector.shape_cast %swap3A_42 : vector<16xf32> to vector<16xf32>
      %swap3A_44 = vector.shape_cast %add3A_40 : vector<16xf32> to vector<16xf32>
      tpu.vector_store %arg5[%swap3A_41], %swap3A_44 {strides = array<i32>} : memref<64xf32, #tpu.memory_space<vmem>>, vector<16xf32>,
      %get3A_45 = arith.constant 16 : index
      %get3A_46 = tpu.vector_load %arg5[%get3A_45] {strides = array<i32>} : memref<64xf32, #tpu.memory_space<vmem>>, vector<16xf32>,
      %get3A_47 = vector.shape_cast %get3A_46 : vector<16xf32> to vector<16xf32>
      %get3A_48 = arith.index_cast %add3A_33 : i32 to index
      %get3A_49 = arith.constant 16 : index
      %get3A_50 = tpu.vector_load %arg4[%get3A_48, %get3A_49] {strides = array<i32>} : memref<256x64xf32, #tpu.memory_space<vmem>>, vector<1x16xf32>,
      %get3A_51 = vector.shape_cast %get3A_50 : vector<1x16xf32> to vector<16xf32>
      %add3A_52 = arith.addf %get3A_47, %get3A_51 : vector<16xf32>
      %swap3A_53 = arith.constant 16 : index
      %swap3A_54 = tpu.vector_load %arg5[%swap3A_53] {strides = array<i32>} : memref<64xf32, #tpu.memory_space<vmem>>, vector<16xf32>,
      %swap3A_55 = vector.shape_cast %swap3A_54 : vector<16xf32> to vector<16xf32>
      %swap3A_56 = vector.shape_cast %add3A_52 : vector<16xf32> to vector<16xf32>
      tpu.vector_store %arg5[%swap3A_53], %swap3A_56 {strides = array<i32>} : memref<64xf32, #tpu.memory_space<vmem>>, vector<16xf32>,
      %get3A_57 = arith.constant 32 : index
      %get3A_58 = tpu.vector_load %arg5[%get3A_57] {strides = array<i32>} : memref<64xf32, #tpu.memory_space<vmem>>, vector<16xf32>,
      %get3A_59 = vector.shape_cast %get3A_58 : vector<16xf32> to vector<16xf32>
      %get3A_60 = arith.index_cast %add3A_33 : i32 to index
      %get3A_61 = arith.constant 32 : index
      %get3A_62 = tpu.vector_load %arg4[%get3A_60, %get3A_61] {strides = array<i32>} : memref<256x64xf32, #tpu.memory_space<vmem>>, vector<1x16xf32>,
      %get3A_63 = vector.shape_cast %get3A_62 : vector<1x16xf32> to vector<16xf32>
      %add3A_64 = arith.addf %get3A_59, %get3A_63 : vector<16xf32>
      %swap3A_65 = arith.constant 32 : index
      %swap3A_66 = tpu.vector_load %arg5[%swap3A_65] {strides = array<i32>} : memref<64xf32, #tpu.memory_space<vmem>>, vector<16xf32>,
      %swap3A_67 = vector.shape_cast %swap3A_66 : vector<16xf32> to vector<16xf32>
      %swap3A_68 = vector.shape_cast %add3A_64 : vector<16xf32> to vector<16xf32>
      tpu.vector_store %arg5[%swap3A_65], %swap3A_68 {strides = array<i32>} : memref<64xf32, #tpu.memory_space<vmem>>, vector<16xf32>,
      %get3A_69 = arith.constant 48 : index
      %get3A_70 = tpu.vector_load %arg5[%get3A_69] {strides = array<i32>} : memref<64xf32, #tpu.memory_space<vmem>>, vector<16xf32>,
      %get3A_71 = vector.shape_cast %get3A_70 : vector<16xf32> to vector<16xf32>
      %get3A_72 = arith.index_cast %add3A_33 : i32 to index
      %get3A_73 = arith.constant 48 : index
      %get3A_74 = tpu.vector_load %arg4[%get3A_72, %get3A_73] {strides = array<i32>} : memref<256x64xf32, #tpu.memory_space<vmem>>, vector<1x16xf32>,
      %get3A_75 = vector.shape_cast %get3A_74 : vector<1x16xf32> to vector<16xf32>
      %add3A_76 = arith.addf %get3A_71, %get3A_75 : vector<16xf32>
      %swap3A_77 = arith.constant 48 : index
      %swap3A_78 = tpu.vector_load %arg5[%swap3A_77] {strides = array<i32>} : memref<64xf32, #tpu.memory_space<vmem>>, vector<16xf32>,
      %swap3A_79 = vector.shape_cast %swap3A_78 : vector<16xf32> to vector<16xf32>
      %swap3A_80 = vector.shape_cast %add3A_76 : vector<16xf32> to vector<16xf32>
      tpu.vector_store %arg5[%swap3A_77], %swap3A_80 {strides = array<i32>} : memref<64xf32, #tpu.memory_space<vmem>>, vector<16xf32>,
    }
    %scan3A_28 = arith.constant 256 : i32
    "tpu.region"() ({
      %run_scoped3A = tpu.sem_alloc : memref<!tpu.dma_semaphore, #tpu.memory_space<semaphore_mem>>
      %dma_start3A = arith.constant 0 : i32
      %dma_start3A_29 = tpu.memref_slice %arg3[%add3A, %dma_start3A] : memref<32x64xf32, #tpu.memory_space<hbm>> -> memref<1x64xf32, #tpu.memory_space<hbm>>
      %dma_start3A_30 = tpu.memref_squeeze %dma_start3A_29 : memref<1x64xf32, #tpu.memory_space<hbm>> -> memref<64xf32, #tpu.memory_space<hbm>>
      %dma_start3A_31 = arith.constant 0 : i32
      %dma_start3A_32 = tpu.memref_slice %arg3[%add3A, %dma_start3A_31] : memref<32x64xf32, #tpu.memory_space<hbm>> -> memref<1x64xf32, #tpu.memory_space<hbm>>
      %dma_start3A_33 = tpu.memref_squeeze %dma_start3A_32 : memref<1x64xf32, #tpu.memory_space<hbm>> -> memref<64xf32, #tpu.memory_space<hbm>>
      tpu.enqueue_dma source(%arg5 : memref<64xf32, #tpu.memory_space<vmem>>) target(%dma_start3A_33 : memref<64xf32, #tpu.memory_space<hbm>>) target_semaphore(%run_scoped3A : memref<!tpu.dma_semaphore, #tpu.memory_space<semaphore_mem>>)
      %dma_wait3A = arith.constant 0 : i32
      %dma_wait3A_34 = tpu.memref_slice %arg3[%add3A, %dma_wait3A] : memref<32x64xf32, #tpu.memory_space<hbm>> -> memref<1x64xf32, #tpu.memory_space<hbm>>
      %dma_wait3A_35 = tpu.memref_squeeze %dma_wait3A_34 : memref<1x64xf32, #tpu.memory_space<hbm>> -> memref<64xf32, #tpu.memory_space<hbm>>
      %dma_wait3A_36 = arith.constant 0 : i32
      %dma_wait3A_37 = tpu.memref_slice %arg3[%add3A, %dma_wait3A_36] : memref<32x64xf32, #tpu.memory_space<hbm>> -> memref<1x64xf32, #tpu.memory_space<hbm>>
      %dma_wait3A_38 = tpu.memref_squeeze %dma_wait3A_37 : memref<1x64xf32, #tpu.memory_space<hbm>> -> memref<64xf32, #tpu.memory_space<hbm>>
      tpu.wait_dma2 semaphore(%run_scoped3A : memref<!tpu.dma_semaphore, #tpu.memory_space<semaphore_mem>>) src(%arg5 : memref<64xf32, #tpu.memory_space<vmem>>) dst(%dma_wait3A_38 : memref<64xf32, #tpu.memory_space<hbm>>)
      tpu.yield
    }) : () -> ()
    return
  }
}

module attributes {stable_mosaic.version = 14 : i64} {
  func.func @_router_block(%arg0: i32, %arg1: memref<512x2048xf32, #tpu.memory_space<vmem>>, %arg2: memref<2048x64xf32, #tpu.memory_space<vmem>>, %arg3: memref<1x64xf32, #tpu.memory_space<vmem>>, %arg4: memref<64x64xf32, #tpu.memory_space<vmem>>, %arg5: memref<1x64xf32, #tpu.memory_space<vmem>>, %arg6: memref<1x1xf32, #tpu.memory_space<vmem>>, %arg7: memref<2048x1024xf32, #tpu.memory_space<vmem>>, %arg8: memref<1x1024xf32, #tpu.memory_space<vmem>>, %arg9: memref<1x1024xf32, #tpu.memory_space<vmem>>, %arg10: memref<1x1024xf32, #tpu.memory_space<vmem>>, %arg11: memref<1024x1024xf32, #tpu.memory_space<vmem>>, %arg12: memref<1024x1024xf32, #tpu.memory_space<vmem>>, %arg13: memref<1x1024xf32, #tpu.memory_space<vmem>>, %arg14: memref<64x1024xf32, #tpu.memory_space<vmem>>, %arg15: memref<512x1024xf32, #tpu.memory_space<vmem>>, %arg16: memref<512x64xf32, #tpu.memory_space<vmem>>) attributes {dimension_semantics = [#tpu.dimension_semantics<arbitrary>], iteration_bounds = array<i64: 16>, scalar_prefetch = 0 : i64, scratch_operands = 0 : i64, tpu.core_type = #tpu.core_type<tc>, window_params = [{transform_indices = @transform_0, window_bounds = array<i64: 512, 2048>}, {pipeline_mode = #tpu.pipeline_mode<synchronous>, transform_indices = @transform_1, window_bounds = array<i64: 2048, 64>}, {pipeline_mode = #tpu.pipeline_mode<synchronous>, transform_indices = @transform_2, window_bounds = array<i64: 1, 64>}, {pipeline_mode = #tpu.pipeline_mode<synchronous>, transform_indices = @transform_3, window_bounds = array<i64: 64, 64>}, {pipeline_mode = #tpu.pipeline_mode<synchronous>, transform_indices = @transform_4, window_bounds = array<i64: 1, 64>}, {pipeline_mode = #tpu.pipeline_mode<synchronous>, transform_indices = @transform_5, window_bounds = array<i64: 1, 1>}, {pipeline_mode = #tpu.pipeline_mode<synchronous>, transform_indices = @transform_6, window_bounds = array<i64: 2048, 1024>}, {pipeline_mode = #tpu.pipeline_mode<synchronous>, transform_indices = @transform_7, window_bounds = array<i64: 1, 1024>}, {pipeline_mode = #tpu.pipeline_mode<synchronous>, transform_indices = @transform_8, window_bounds = array<i64: 1, 1024>}, {pipeline_mode = #tpu.pipeline_mode<synchronous>, transform_indices = @transform_9, window_bounds = array<i64: 1, 1024>}, {transform_indices = @transform_10, window_bounds = array<i64: 1024, 1024>}, {transform_indices = @transform_11, window_bounds = array<i64: 1024, 1024>}, {pipeline_mode = #tpu.pipeline_mode<synchronous>, transform_indices = @transform_12, window_bounds = array<i64: 1, 1024>}, {pipeline_mode = #tpu.pipeline_mode<synchronous>, transform_indices = @transform_13, window_bounds = array<i64: 64, 1024>}, {transform_indices = @transform_14, window_bounds = array<i64: 512, 1024>}, {transform_indices = @transform_15, window_bounds = array<i64: 512, 64>}]} {
    %get3A = arith.constant 0 : index
    %get3A_0 = arith.constant 0 : index
    %get3A_1 = vector.load %arg1[%get3A, %get3A_0] : memref<512x2048xf32, #tpu.memory_space<vmem>>, vector<512x2048xf32>
    %get3A_2 = arith.constant 0 : index
    %get3A_3 = arith.constant 0 : index
    %get3A_4 = vector.load %arg2[%get3A_2, %get3A_3] : memref<2048x64xf32, #tpu.memory_space<vmem>>, vector<2048x64xf32>
    %dot_general3A = arith.constant dense<0.000000e+00> : vector<512x64xf32>
    %dot_general3A_5 = tpu.matmul %get3A_1, %get3A_4, %dot_general3A {dimension_numbers = #tpu.dot_dimension_numbers<[1], [0], [0], [1], [0, 0, 1, 1], [], []>, transpose_lhs_hint = false} : vector<512x2048xf32>, vector<2048x64xf32>, vector<512x64xf32> -> vector<512x64xf32>
    %get3A_6 = arith.constant 0 : index
    %get3A_7 = arith.constant 0 : index
    %get3A_8 = vector.load %arg3[%get3A_6, %get3A_7] : memref<1x64xf32, #tpu.memory_space<vmem>>, vector<1x64xf32>
    %add3A = vector.broadcast %get3A_8 : vector<1x64xf32> to vector<512x64xf32>
    %add3A_9 = arith.addf %dot_general3A_5, %add3A : vector<512x64xf32>
    %max3A = arith.constant 0.000000e+00 : f32
    %max3A_10 = vector.broadcast %max3A : f32 to vector<512x64xf32>
    %max3A_11 = arith.maximumf %add3A_9, %max3A_10 : vector<512x64xf32>
    %get3A_12 = arith.constant 0 : index
    %get3A_13 = arith.constant 0 : index
    %get3A_14 = vector.load %arg4[%get3A_12, %get3A_13] : memref<64x64xf32, #tpu.memory_space<vmem>>, vector<64x64xf32>
    %dot_general3A_15 = arith.constant dense<0.000000e+00> : vector<512x64xf32>
    %dot_general3A_16 = tpu.matmul %max3A_11, %get3A_14, %dot_general3A_15 {dimension_numbers = #tpu.dot_dimension_numbers<[1], [0], [0], [1], [0, 0, 1, 1], [], []>, transpose_lhs_hint = false} : vector<512x64xf32>, vector<64x64xf32>, vector<512x64xf32> -> vector<512x64xf32>
    %get3A_17 = arith.constant 0 : index
    %get3A_18 = arith.constant 0 : index
    %get3A_19 = vector.load %arg5[%get3A_17, %get3A_18] : memref<1x64xf32, #tpu.memory_space<vmem>>, vector<1x64xf32>
    %add3A_20 = vector.broadcast %get3A_19 : vector<1x64xf32> to vector<512x64xf32>
    %add3A_21 = arith.addf %dot_general3A_16, %add3A_20 : vector<512x64xf32>
    %get3A_22 = arith.constant 0 : index
    %get3A_23 = arith.constant 0 : index
    %get3A_24 = vector.load %arg6[%get3A_22, %get3A_23] : memref<1x1xf32, #tpu.memory_space<vmem>>, vector<1x1xf32>
    %get3A_25 = vector.extract %get3A_24[0, 0] : f32 from vector<1x1xf32>
    %jit3A = arith.constant 1.000000e-01 : f32
    %jit3A_26 = arith.constant 5.000000e+00 : f32
    %max3A_27 = arith.maximumf %jit3A, %get3A_25 : f32
    %min3A = arith.minimumf %jit3A_26, %max3A_27 : f32
    %div3A = vector.broadcast %min3A : f32 to vector<512x64xf32>
    %div3A_28 = arith.divf %add3A_21, %div3A : vector<512x64xf32>
    %jit3A_29 = arith.constant -1.000000e+01 : f32
    %jit3A_30 = arith.constant 1.000000e+01 : f32
    %max3A_31 = vector.broadcast %jit3A_29 : f32 to vector<512x64xf32>
    %max3A_32 = arith.maximumf %max3A_31, %div3A_28 : vector<512x64xf32>
    %min3A_33 = vector.broadcast %jit3A_30 : f32 to vector<512x64xf32>
    %min3A_34 = arith.minimumf %min3A_33, %max3A_32 : vector<512x64xf32>
    %iota3A = tpu.iota {dimensions = array<i32: 1>} : vector<512x64xi32>
    %reduce_max3A = arith.constant dense<0xFF800000> : vector<512xf32>
    %reduce_max3A_35 = vector.multi_reduction <maximumf>, %min3A_34, %reduce_max3A [1] : vector<512x64xf32> to vector<512xf32>
    %broadcast_in_dim3A = vector.shape_cast %reduce_max3A_35 : vector<512xf32> to vector<512x1xf32>
    %eq3A = vector.broadcast %broadcast_in_dim3A : vector<512x1xf32> to vector<512x64xf32>
    %eq3A_36 = arith.cmpf oeq, %min3A_34, %eq3A : vector<512x64xf32>
    %jit3A_37 = arith.constant 64 : i32
    %broadcast_in_dim3A_38 = vector.broadcast %jit3A_37 : i32 to vector<512x64xi32>
    %select_n3A = arith.select %eq3A_36, %iota3A, %broadcast_in_dim3A_38 : vector<512x64xi1>, vector<512x64xi32>
    %reduce_min3A = arith.constant dense<2147483647> : vector<512xi32>
    %reduce_min3A_39 = vector.multi_reduction <minsi>, %select_n3A, %reduce_min3A [1] : vector<512x64xi32> to vector<512xi32>
    %broadcast_in_dim3A_40 = vector.shape_cast %reduce_min3A_39 : vector<512xi32> to vector<512x1xi32>
    %eq3A_41 = vector.broadcast %broadcast_in_dim3A_40 : vector<512x1xi32> to vector<512x64xi32>
    %eq3A_42 = arith.cmpi eq, %iota3A, %eq3A_41 : vector<512x64xi32>
    %jit3A_43 = arith.constant 0xFF800000 : f32
    %broadcast_in_dim3A_44 = vector.broadcast %jit3A_43 : f32 to vector<512x64xf32>
    %select_n3A_45 = arith.select %eq3A_42, %broadcast_in_dim3A_44, %min3A_34 : vector<512x64xi1>, vector<512x64xf32>
    %reduce_max3A_46 = arith.constant dense<0xFF800000> : vector<512xf32>
    %reduce_max3A_47 = vector.multi_reduction <maximumf>, %select_n3A_45, %reduce_max3A_46 [1] : vector<512x64xf32> to vector<512xf32>
    %broadcast_in_dim3A_48 = vector.shape_cast %reduce_max3A_47 : vector<512xf32> to vector<512x1xf32>
    %eq3A_49 = vector.broadcast %broadcast_in_dim3A_48 : vector<512x1xf32> to vector<512x64xf32>
    %eq3A_50 = arith.cmpf oeq, %select_n3A_45, %eq3A_49 : vector<512x64xf32>
    %jit3A_51 = arith.constant 64 : i32
    %broadcast_in_dim3A_52 = vector.broadcast %jit3A_51 : i32 to vector<512x64xi32>
    %select_n3A_53 = arith.select %eq3A_50, %iota3A, %broadcast_in_dim3A_52 : vector<512x64xi1>, vector<512x64xi32>
    %reduce_min3A_54 = arith.constant dense<2147483647> : vector<512xi32>
    %reduce_min3A_55 = vector.multi_reduction <minsi>, %select_n3A_53, %reduce_min3A_54 [1] : vector<512x64xi32> to vector<512xi32>
    %broadcast_in_dim3A_56 = vector.shape_cast %reduce_min3A_55 : vector<512xi32> to vector<512x1xi32>
    %sub3A = arith.subf %broadcast_in_dim3A_48, %broadcast_in_dim3A : vector<512x1xf32>
    %exp3A = math.exp %sub3A : vector<512x1xf32>
    %add3A_57 = arith.constant 1.000000e+00 : f32
    %add3A_58 = vector.broadcast %add3A_57 : f32 to vector<512x1xf32>
    %add3A_59 = arith.addf %add3A_58, %exp3A : vector<512x1xf32>
    %div3A_60 = arith.constant 1.000000e+00 : f32
    %div3A_61 = vector.broadcast %div3A_60 : f32 to vector<512x1xf32>
    %div3A_62 = arith.divf %div3A_61, %add3A_59 : vector<512x1xf32>
    %div3A_63 = arith.divf %exp3A, %add3A_59 : vector<512x1xf32>
    %eq3A_64 = vector.broadcast %broadcast_in_dim3A_40 : vector<512x1xi32> to vector<512x64xi32>
    %eq3A_65 = arith.cmpi eq, %iota3A, %eq3A_64 : vector<512x64xi32>
    %jit3A_66 = arith.constant 0.000000e+00 : f32
    %broadcast_in_dim3A_67 = vector.shape_cast %div3A_62 : vector<512x1xf32> to vector<512x1xf32>
    %broadcast_in_dim3A_68 = vector.broadcast %broadcast_in_dim3A_67 : vector<512x1xf32> to vector<512x64xf32>
    %broadcast_in_dim3A_69 = vector.broadcast %jit3A_66 : f32 to vector<512x64xf32>
    %select_n3A_70 = arith.select %eq3A_65, %broadcast_in_dim3A_68, %broadcast_in_dim3A_69 : vector<512x64xi1>, vector<512x64xf32>
    %eq3A_71 = vector.broadcast %broadcast_in_dim3A_56 : vector<512x1xi32> to vector<512x64xi32>
    %eq3A_72 = arith.cmpi eq, %iota3A, %eq3A_71 : vector<512x64xi32>
    %jit3A_73 = arith.constant 0.000000e+00 : f32
    %broadcast_in_dim3A_74 = vector.shape_cast %div3A_63 : vector<512x1xf32> to vector<512x1xf32>
    %broadcast_in_dim3A_75 = vector.broadcast %broadcast_in_dim3A_74 : vector<512x1xf32> to vector<512x64xf32>
    %broadcast_in_dim3A_76 = vector.broadcast %jit3A_73 : f32 to vector<512x64xf32>
    %select_n3A_77 = arith.select %eq3A_72, %broadcast_in_dim3A_75, %broadcast_in_dim3A_76 : vector<512x64xi1>, vector<512x64xf32>
    %add3A_78 = arith.addf %select_n3A_70, %select_n3A_77 : vector<512x64xf32>
    %swap3A = arith.constant 0 : index
    %swap3A_79 = arith.constant 0 : index
    %swap3A_80 = vector.load %arg16[%swap3A, %swap3A_79] : memref<512x64xf32, #tpu.memory_space<vmem>>, vector<512x64xf32>
    tpu.vector_store %arg16[%swap3A, %swap3A_79], %add3A_78 {strides = array<i32>} : memref<512x64xf32, #tpu.memory_space<vmem>>, vector<512x64xf32>,
    %get3A_81 = arith.constant 0 : index
    %get3A_82 = arith.constant 0 : index
    %get3A_83 = vector.load %arg14[%get3A_81, %get3A_82] : memref<64x1024xf32, #tpu.memory_space<vmem>>, vector<64x1024xf32>
    %dot_general3A_84 = arith.constant dense<0.000000e+00> : vector<512x1024xf32>
    %dot_general3A_85 = tpu.matmul %add3A_78, %get3A_83, %dot_general3A_84 {dimension_numbers = #tpu.dot_dimension_numbers<[1], [0], [0], [1], [0, 0, 1, 1], [], []>, transpose_lhs_hint = false} : vector<512x64xf32>, vector<64x1024xf32>, vector<512x1024xf32> -> vector<512x1024xf32>
    %get3A_86 = arith.constant 0 : index
    %get3A_87 = arith.constant 0 : index
    %get3A_88 = vector.load %arg7[%get3A_86, %get3A_87] : memref<2048x1024xf32, #tpu.memory_space<vmem>>, vector<2048x1024xf32>
    %dot_general3A_89 = arith.constant dense<0.000000e+00> : vector<512x1024xf32>
    %dot_general3A_90 = tpu.matmul %get3A_1, %get3A_88, %dot_general3A_89 {dimension_numbers = #tpu.dot_dimension_numbers<[1], [0], [0], [1], [0, 0, 1, 1], [], []>, transpose_lhs_hint = false} : vector<512x2048xf32>, vector<2048x1024xf32>, vector<512x1024xf32> -> vector<512x1024xf32>
    %get3A_91 = arith.constant 0 : index
    %get3A_92 = arith.constant 0 : index
    %get3A_93 = vector.load %arg8[%get3A_91, %get3A_92] : memref<1x1024xf32, #tpu.memory_space<vmem>>, vector<1x1024xf32>
    %add3A_94 = vector.broadcast %get3A_93 : vector<1x1024xf32> to vector<512x1024xf32>
    %add3A_95 = arith.addf %dot_general3A_90, %add3A_94 : vector<512x1024xf32>
    %reduce_sum3A = arith.constant dense<0.000000e+00> : vector<512xf32>
    %reduce_sum3A_96 = vector.multi_reduction <add>, %add3A_95, %reduce_sum3A [1] : vector<512x1024xf32> to vector<512xf32>
    %broadcast_in_dim3A_97 = vector.shape_cast %reduce_sum3A_96 : vector<512xf32> to vector<512x1xf32>
    %div3A_98 = arith.constant 1.024000e+03 : f32
    %div3A_99 = vector.broadcast %div3A_98 : f32 to vector<512x1xf32>
    %div3A_100 = arith.divf %broadcast_in_dim3A_97, %div3A_99 : vector<512x1xf32>
    %sub3A_101 = vector.broadcast %div3A_100 : vector<512x1xf32> to vector<512x1024xf32>
    %sub3A_102 = arith.subf %add3A_95, %sub3A_101 : vector<512x1024xf32>
    %integer_pow3A = arith.mulf %sub3A_102, %sub3A_102 : vector<512x1024xf32>
    %reduce_sum3A_103 = arith.constant dense<0.000000e+00> : vector<512xf32>
    %reduce_sum3A_104 = vector.multi_reduction <add>, %integer_pow3A, %reduce_sum3A_103 [1] : vector<512x1024xf32> to vector<512xf32>
    %broadcast_in_dim3A_105 = vector.shape_cast %reduce_sum3A_104 : vector<512xf32> to vector<512x1xf32>
    %div3A_106 = arith.constant 1.024000e+03 : f32
    %div3A_107 = vector.broadcast %div3A_106 : f32 to vector<512x1xf32>
    %div3A_108 = arith.divf %broadcast_in_dim3A_105, %div3A_107 : vector<512x1xf32>
    %sub3A_109 = vector.broadcast %div3A_100 : vector<512x1xf32> to vector<512x1024xf32>
    %sub3A_110 = arith.subf %add3A_95, %sub3A_109 : vector<512x1024xf32>
    %add3A_111 = arith.constant 9.99999974E-6 : f32
    %add3A_112 = vector.broadcast %add3A_111 : f32 to vector<512x1xf32>
    %add3A_113 = arith.addf %div3A_108, %add3A_112 : vector<512x1xf32>
    %sqrt3A = math.sqrt %add3A_113 : vector<512x1xf32>
    %div3A_114 = vector.broadcast %sqrt3A : vector<512x1xf32> to vector<512x1024xf32>
    %div3A_115 = arith.divf %sub3A_110, %div3A_114 : vector<512x1024xf32>
    %get3A_116 = arith.constant 0 : index
    %get3A_117 = arith.constant 0 : index
    %get3A_118 = vector.load %arg9[%get3A_116, %get3A_117] : memref<1x1024xf32, #tpu.memory_space<vmem>>, vector<1x1024xf32>
    %mul3A = vector.broadcast %get3A_118 : vector<1x1024xf32> to vector<512x1024xf32>
    %mul3A_119 = arith.mulf %div3A_115, %mul3A : vector<512x1024xf32>
    %get3A_120 = arith.constant 0 : index
    %get3A_121 = arith.constant 0 : index
    %get3A_122 = vector.load %arg10[%get3A_120, %get3A_121] : memref<1x1024xf32, #tpu.memory_space<vmem>>, vector<1x1024xf32>
    %add3A_123 = vector.broadcast %get3A_122 : vector<1x1024xf32> to vector<512x1024xf32>
    %add3A_124 = arith.addf %mul3A_119, %add3A_123 : vector<512x1024xf32>
    %get3A_125 = arith.constant 0 : index
    %get3A_126 = arith.constant 0 : index
    %get3A_127 = vector.load %arg11[%get3A_125, %get3A_126] : memref<1024x1024xf32, #tpu.memory_space<vmem>>, vector<1024x1024xf32>
    %dot_general3A_128 = arith.constant dense<0.000000e+00> : vector<512x1024xf32>
    %dot_general3A_129 = tpu.matmul %add3A_124, %get3A_127, %dot_general3A_128 {dimension_numbers = #tpu.dot_dimension_numbers<[1], [0], [0], [1], [0, 0, 1, 1], [], []>, transpose_lhs_hint = false} : vector<512x1024xf32>, vector<1024x1024xf32>, vector<512x1024xf32> -> vector<512x1024xf32>
    %get3A_130 = arith.constant 0 : index
    %get3A_131 = arith.constant 0 : index
    %get3A_132 = vector.load %arg12[%get3A_130, %get3A_131] : memref<1024x1024xf32, #tpu.memory_space<vmem>>, vector<1024x1024xf32>
    %dot_general3A_133 = arith.constant dense<0.000000e+00> : vector<512x1024xf32>
    %dot_general3A_134 = tpu.matmul %dot_general3A_85, %get3A_132, %dot_general3A_133 {dimension_numbers = #tpu.dot_dimension_numbers<[1], [0], [0], [1], [0, 0, 1, 1], [], []>, transpose_lhs_hint = false} : vector<512x1024xf32>, vector<1024x1024xf32>, vector<512x1024xf32> -> vector<512x1024xf32>
    %add3A_135 = arith.addf %dot_general3A_129, %dot_general3A_134 : vector<512x1024xf32>
    %get3A_136 = arith.constant 0 : index
    %get3A_137 = arith.constant 0 : index
    %get3A_138 = vector.load %arg13[%get3A_136, %get3A_137] : memref<1x1024xf32, #tpu.memory_space<vmem>>, vector<1x1024xf32>
    %add3A_139 = vector.broadcast %get3A_138 : vector<1x1024xf32> to vector<512x1024xf32>
    %add3A_140 = arith.addf %add3A_135, %add3A_139 : vector<512x1024xf32>
    %swap3A_141 = arith.constant 0 : index
    %swap3A_142 = arith.constant 0 : index
    %swap3A_143 = vector.load %arg15[%swap3A_141, %swap3A_142] : memref<512x1024xf32, #tpu.memory_space<vmem>>, vector<512x1024xf32>
    tpu.vector_store %arg15[%swap3A_141, %swap3A_142], %add3A_140 {strides = array<i32>} : memref<512x1024xf32, #tpu.memory_space<vmem>>, vector<512x1024xf32>,
    return
  }
  func.func @transform_0(%arg0: i32) -> (i32, i32) {
    %c0_i32 = arith.constant 0 : i32
    %c0_i32_0 = arith.constant 0 : i32
    return %arg0, %c0_i32 : i32, i32
  }
  func.func @transform_1(%arg0: i32) -> (i32, i32) {
    %c0_i32 = arith.constant 0 : i32
    %c0_i32_0 = arith.constant 0 : i32
    %c0_i32_1 = arith.constant 0 : i32
    return %c0_i32, %c0_i32_0 : i32, i32
  }
  func.func @transform_2(%arg0: i32) -> (i32, i32) {
    %c0_i32 = arith.constant 0 : i32
    %c0_i32_0 = arith.constant 0 : i32
    %c0_i32_1 = arith.constant 0 : i32
    return %c0_i32, %c0_i32_0 : i32, i32
  }
  func.func @transform_3(%arg0: i32) -> (i32, i32) {
    %c0_i32 = arith.constant 0 : i32
    %c0_i32_0 = arith.constant 0 : i32
    %c0_i32_1 = arith.constant 0 : i32
    return %c0_i32, %c0_i32_0 : i32, i32
  }
  func.func @transform_4(%arg0: i32) -> (i32, i32) {
    %c0_i32 = arith.constant 0 : i32
    %c0_i32_0 = arith.constant 0 : i32
    %c0_i32_1 = arith.constant 0 : i32
    return %c0_i32, %c0_i32_0 : i32, i32
  }
  func.func @transform_5(%arg0: i32) -> (i32, i32) {
    %c0_i32 = arith.constant 0 : i32
    %c0_i32_0 = arith.constant 0 : i32
    %c0_i32_1 = arith.constant 0 : i32
    return %c0_i32, %c0_i32_0 : i32, i32
  }
  func.func @transform_6(%arg0: i32) -> (i32, i32) {
    %c0_i32 = arith.constant 0 : i32
    %c0_i32_0 = arith.constant 0 : i32
    %c0_i32_1 = arith.constant 0 : i32
    return %c0_i32, %c0_i32_0 : i32, i32
  }
  func.func @transform_7(%arg0: i32) -> (i32, i32) {
    %c0_i32 = arith.constant 0 : i32
    %c0_i32_0 = arith.constant 0 : i32
    %c0_i32_1 = arith.constant 0 : i32
    return %c0_i32, %c0_i32_0 : i32, i32
  }
  func.func @transform_8(%arg0: i32) -> (i32, i32) {
    %c0_i32 = arith.constant 0 : i32
    %c0_i32_0 = arith.constant 0 : i32
    %c0_i32_1 = arith.constant 0 : i32
    return %c0_i32, %c0_i32_0 : i32, i32
  }
  func.func @transform_9(%arg0: i32) -> (i32, i32) {
    %c0_i32 = arith.constant 0 : i32
    %c0_i32_0 = arith.constant 0 : i32
    %c0_i32_1 = arith.constant 0 : i32
    return %c0_i32, %c0_i32_0 : i32, i32
  }
  func.func @transform_10(%arg0: i32) -> (i32, i32) {
    %c0_i32 = arith.constant 0 : i32
    %c0_i32_0 = arith.constant 0 : i32
    %c0_i32_1 = arith.constant 0 : i32
    return %c0_i32, %c0_i32_0 : i32, i32
  }
  func.func @transform_11(%arg0: i32) -> (i32, i32) {
    %c1_i32 = arith.constant 1 : i32
    %c0_i32 = arith.constant 0 : i32
    %c0_i32_0 = arith.constant 0 : i32
    return %c1_i32, %c0_i32 : i32, i32
  }
  func.func @transform_12(%arg0: i32) -> (i32, i32) {
    %c0_i32 = arith.constant 0 : i32
    %c0_i32_0 = arith.constant 0 : i32
    %c0_i32_1 = arith.constant 0 : i32
    return %c0_i32, %c0_i32_0 : i32, i32
  }
  func.func @transform_13(%arg0: i32) -> (i32, i32) {
    %c0_i32 = arith.constant 0 : i32
    %c0_i32_0 = arith.constant 0 : i32
    %c0_i32_1 = arith.constant 0 : i32
    return %c0_i32, %c0_i32_0 : i32, i32
  }
  func.func @transform_14(%arg0: i32) -> (i32, i32) {
    %c0_i32 = arith.constant 0 : i32
    %c0_i32_0 = arith.constant 0 : i32
    return %arg0, %c0_i32 : i32, i32
  }
  func.func @transform_15(%arg0: i32) -> (i32, i32) {
    %c0_i32 = arith.constant 0 : i32
    %c0_i32_0 = arith.constant 0 : i32
    return %arg0, %c0_i32 : i32, i32
  }
}

module attributes {stable_mosaic.version = 14 : i64} {
  func.func @_loss_block(%arg0: memref<32x64xf32, #tpu.memory_space<vmem>>, %arg1: memref<1x1xf32, #tpu.memory_space<vmem>>) attributes {dimension_semantics = [], scalar_prefetch = 0 : i64, scratch_operands = 0 : i64, tpu.core_type = #tpu.core_type<tc>} {
    %get3A = arith.constant 0 : index
    %get3A_0 = arith.constant 0 : index
    %get3A_1 = vector.load %arg0[%get3A, %get3A_0] : memref<32x64xf32, #tpu.memory_space<vmem>>, vector<32x64xf32>
    %reduce_sum3A = arith.constant dense<0.000000e+00> : vector<64xf32>
    %reduce_sum3A_2 = vector.multi_reduction <add>, %get3A_1, %reduce_sum3A [0] : vector<32x64xf32> to vector<64xf32>
    %broadcast_in_dim3A = vector.shape_cast %reduce_sum3A_2 : vector<64xf32> to vector<1x64xf32>
    %reduce_sum3A_3 = vector.shape_cast %broadcast_in_dim3A : vector<1x64xf32> to vector<1x1x64xf32>
    %reduce_sum3A_4 = arith.constant dense<0.000000e+00> : vector<1xf32>
    %reduce_sum3A_5 = vector.multi_reduction <add>, %reduce_sum3A_3, %reduce_sum3A_4 [1, 2] : vector<1x1x64xf32> to vector<1xf32>
    %reduce_sum3A_6 = vector.shape_cast %reduce_sum3A_5 : vector<1xf32> to vector<1x1x1xf32>
    %reduce_sum3A_7 = vector.extract %reduce_sum3A_6[0, 0, 0] : f32 from vector<1x1x1xf32>
    %add3A = arith.constant 9.99999993E-9 : f32
    %add3A_8 = arith.addf %reduce_sum3A_7, %add3A : f32
    %div3A = vector.broadcast %add3A_8 : f32 to vector<1x64xf32>
    %div3A_9 = arith.divf %broadcast_in_dim3A, %div3A : vector<1x64xf32>
    %sub3A = arith.constant 1.562500e-02 : f32
    %sub3A_10 = vector.broadcast %sub3A : f32 to vector<1x64xf32>
    %sub3A_11 = arith.subf %div3A_9, %sub3A_10 : vector<1x64xf32>
    %mul3A = arith.mulf %sub3A_11, %sub3A_11 : vector<1x64xf32>
    %reduce_sum3A_12 = vector.shape_cast %mul3A : vector<1x64xf32> to vector<1x1x64xf32>
    %reduce_sum3A_13 = arith.constant dense<0.000000e+00> : vector<1xf32>
    %reduce_sum3A_14 = vector.multi_reduction <add>, %reduce_sum3A_12, %reduce_sum3A_13 [1, 2] : vector<1x1x64xf32> to vector<1xf32>
    %reduce_sum3A_15 = vector.shape_cast %reduce_sum3A_14 : vector<1xf32> to vector<1x1x1xf32>
    %reduce_sum3A_16 = vector.extract %reduce_sum3A_15[0, 0, 0] : f32 from vector<1x1x1xf32>
    %div3A_17 = arith.constant 6.400000e+01 : f32
    %div3A_18 = arith.divf %reduce_sum3A_16, %div3A_17 : f32
    %mul3A_19 = arith.constant 0.00999999977 : f32
    %mul3A_20 = arith.mulf %div3A_18, %mul3A_19 : f32
    %reshape3A = vector.broadcast %mul3A_20 : f32 to vector<1x1xf32>
    %swap3A = arith.constant 0 : index
    %swap3A_21 = arith.constant 0 : index
    %swap3A_22 = vector.load %arg1[%swap3A, %swap3A_21] : memref<1x1xf32, #tpu.memory_space<vmem>>, vector<1x1xf32>
    tpu.vector_store %arg1[%swap3A, %swap3A_21], %reshape3A {strides = array<i32>} : memref<1x1xf32, #tpu.memory_space<vmem>>, vector<1x1xf32>,
    return
  }
}

</mosaic_0001>

<sc_bundles>
// kernel: kernel.5.cloned.1.call-start
scs
__scs_entry_jumppad:
0x0: {  	(pc) =	sbr.rel $0x88, $3  }
0x1: {  	(tag) =	ssettag $0x0;
	lr =	simm.s32 $0x1  }
0x2: {  	[smem:$0x3F94] =	sst lr;
	_ =	strace $0xD0000000  }
0x3: {  	_ = 	snop  }
0x4: {  	_ = 	snop  }
0x5: {  	_ = 	snop  }
0x6: {  	_ = 	snop  }
0x7: {  	_ = 	snop  }
__scs_overlays_trampoline_lowered:
0x8: {  	[smem:$0x3FA3] =	sst s0  }
0x9: {  	[smem:$0x3FA4] =	sst s1  }
0xa: {  	[smem:$0x3FA5] =	sst s2  }
0xb: {  	[smem:$0x3FA6] =	sst s3  }
0xc: {  	[smem:$0x3FA7] =	sst s4  }
0xd: {  	[smem:$0x3FA8] =	sst s5  }
0xe: {  	[smem:$0x3FA9] =	sst s6  }
0xf: {  	[smem:$0x3FAA] =	sst s7  }
0x10: {  	[smem:$0x3FAB] =	sst s8  }
0x11: {  	[smem:$0x3FAC] =	sst s9;
	s0 =	simm.s32 @!p0 $0x0  }
0x12: {  	s1 =	sld [smem:$0x3F92];
	s0 =	simm.s32 @p0 $0x1  }
0x13: {  	[smem:$0x3FAD] =	sst s0;
	s0 =	simm.s32 @!p1 $0x0  }
0x14: {  	s2 =	sld [smem:$0x3F91];
	s0 =	simm.s32 @p1 $0x1  }
0x15: {  	[smem:$0x3FAE] =	sst s0;
	s0 =	simm.s32 @!p2 $0x0  }
0x16: {  	s3 =	sld [smem:$0x3FDB];
	s0 =	simm.s32 @p2 $0x1  }
0x17: {  	s4 =	simm.s32 $0x1BF5;
	[smem:$0x3FB0] =	sst s0  }
0x18: {  	s0 =	sld [smem:$0x3F93];
	_ =	swait.ge [sflag:s4], $0x0  }
0x19: {  	s7 =	sld [smem:$0x3F94]  }
0x1a: {  	s8 =	sadd.s32 $0xFFFFE003, lr  }
0x1b: {  	s9 =	sadd.s32 $0xFFFFFEF7, lr;
	s5 =	simm.s32 $0xFFFFFFFF;
	p2 =	slt.u32 s8, $0xFFFFF086  }
0x1c: {  	p1 =	slt.u32 s9, $0xF7A;
	s5 =	simm.s32 @!p2 $0x0  }
0x1d: {  	s5 =	simm.s32 @p1 $0x1;
	p0 =	seq.s32 s7, s2  }
0x1e: {  	s7 =	smul.u32 @!p0 $0xF7A, s2;
	p2 =	seq.s32 @!p0 s5, $0x0  }
0x1f: {  	s9 =	smul.u32 $0xF7A, s1;
	s8 =	simm.s32 @!p0 $0x1BF5;
	p2 =	por !p2, p0  }
0x20: {  	[sflag:s8] =	ssyncset.s32 @!p0 $0xFFFFF086;
	s6 =	sadd.s32 @!p0 s3, s7;
	s7 =	simm.s32 @!p0 $0x108  }
0x21: {  	s3 =	sadd.s32 s3, s9;
	s6 =	sadd.s32 @!p0 $0x88, s6;
	s7 =	simm.s32 @p2 $0x1082  }
0x22: {  	[simem:s7], [sflag:s8] =	dma.local @!p0 [hbm:s6], $0xF7A  }
0x23: {  	s9 =	sor.u32 $0xD0000000, s2;
	s6 =	simm.s32 $0x108;
	_ =	swait.ge @!p0 [sflag:s8], $0x0  }
0x24: {  	s3 =	sadd.s32 $0x88, s3;
	s6 =	simm.s32 @!p1 $0x1082;
	[sflag:s4] =	ssyncset.s32 $0xFFFFF086  }
0x25: {  	[simem:s6], [sflag:s4] =	dma.local [hbm:s3], $0xF7A  }
0x26: {  	[smem:$0x3F94] =	sst s1;
	(tag) =	ssettag s2;
	_ =	strace s9  }
0x27: {  	s1 =	sld [smem:$0x3FA4]  }
0x28: {  	s2 =	sld [smem:$0x3FA5]  }
0x29: {  	s4 =	sld [smem:$0x3FA7]  }
0x2a: {  	p0 =	seq.s32 s5, $0x0;
	s5 =	sld [smem:$0x3FA8]  }
0x2b: {  	s6 =	sld [smem:$0x3FA9]  }
0x2c: {  	s7 =	sld [smem:$0x3FAA]  }
0x2d: {  	s3 =	simm.s32 $0x108;
	s8 =	sld [smem:$0x3FAB]  }
0x2e: {  	s3 =	simm.s32 @!p0 $0x1082;
	s9 =	sld [smem:$0x3FAC]  }
0x2f: {  	lr =	sadd.s32 s0, s3;
	s0 =	sld [smem:$0x3FA3]  }
0x30: {  	s3 =	sld [smem:$0x3FA6]  }
0x31: {  	[smem:$0x3FAF] =	sst s10  }
0x32: {  	s10 =	sld [smem:$0x3FAD];
	_ =	sdelay $0x3  }
0x33: {  	p0 =	seq.s32 s10, $0x1;
	s10 =	sld [smem:$0x3FAF];
	_ =	sdelay $0x3  }
0x34: {  	[smem:$0x3FAF] =	sst s10  }
0x35: {  	s10 =	sld [smem:$0x3FAE];
	_ =	sdelay $0x3  }
0x36: {  	p1 =	seq.s32 s10, $0x1;
	s10 =	sld [smem:$0x3FAF];
	_ =	sdelay $0x3  }
0x37: {  	[smem:$0x3FAF] =	sst s10  }
0x38: {  	s10 =	sld [smem:$0x3FB0]  }
0x39: {  	_ = 	snop;
	(pc) =	sbr.ind lr, $3  }
0x3a: {  	_ = 	snop  }
0x3b: {  	_ = 	snop  }
0x3c: {  	p2 =	seq.s32 s10, $0x1;
	s10 =	sld [smem:$0x3FAF]  }
0x3d: {  	_ =	shalt  }
0x3e: {  	_ =	shalt  }
0x3f: {  	_ =	shalt  }
0x40: {  	_ =	shalt  }
0x41: {  	_ =	shalt  }
0x42: {  	_ =	shalt  }
0x43: {  	_ =	shalt  }
0x44: {  	_ =	shalt  }
0x45: {  	_ =	shalt  }
0x46: {  	_ =	shalt  }
0x47: {  	_ =	shalt  }
0x48: {  	_ =	shalt  }
0x49: {  	_ =	shalt  }
0x4a: {  	_ =	shalt  }
0x4b: {  	_ =	shalt  }
0x4c: {  	_ =	shalt  }
0x4d: {  	_ =	shalt  }
0x4e: {  	_ =	shalt  }
0x4f: {  	_ =	shalt  }
0x50: {  	_ =	shalt  }
0x51: {  	_ =	shalt  }
0x52: {  	_ =	shalt  }
0x53: {  	_ =	shalt  }
0x54: {  	_ =	shalt  }
0x55: {  	_ =	shalt  }
0x56: {  	_ =	shalt  }
0x57: {  	_ =	shalt  }
0x58: {  	_ =	shalt  }
0x59: {  	_ =	shalt  }
0x5a: {  	_ =	shalt  }
0x5b: {  	_ =	shalt  }
0x5c: {  	_ =	shalt  }
0x5d: {  	_ =	shalt  }
0x5e: {  	_ =	shalt  }
0x5f: {  	_ =	shalt  }
0x60: {  	_ =	shalt  }
0x61: {  	_ =	shalt  }
0x62: {  	_ =	shalt  }
0x63: {  	_ =	shalt  }
0x64: {  	_ =	shalt  }
0x65: {  	_ =	shalt  }
0x66: {  	_ =	shalt  }
0x67: {  	_ =	shalt  }
0x68: {  	_ =	shalt  }
0x69: {  	_ =	shalt  }
0x6a: {  	_ =	shalt  }
0x6b: {  	_ =	shalt  }
0x6c: {  	_ =	shalt  }
0x6d: {  	_ =	shalt  }
0x6e: {  	_ =	shalt  }
0x6f: {  	_ =	shalt  }
0x70: {  	_ =	shalt  }
0x71: {  	_ =	shalt  }
0x72: {  	_ =	shalt  }
0x73: {  	_ =	shalt  }
0x74: {  	_ =	shalt  }
0x75: {  	_ =	shalt  }
0x76: {  	_ =	shalt  }
0x77: {  	_ =	shalt  }
0x78: {  	_ =	shalt  }
0x79: {  	_ =	shalt  }
0x7a: {  	_ =	shalt  }
0x7b: {  	_ =	shalt  }
0x7c: {  	_ =	shalt  }
0x7d: {  	_ =	shalt  }
0x7e: {  	_ =	shalt  }
0x7f: {  	_ =	shalt  }
0x80: {  	_ =	shalt  }
0x81: {  	_ =	shalt  }
0x82: {  	_ =	shalt  }
0x83: {  	_ =	shalt  }
0x84: {  	_ =	shalt  }
0x85: {  	_ =	shalt  }
0x86: {  	_ =	shalt  }
0x87: {  	_ =	shalt  }
.Lfunc_end0:
.L_simem_size_0:
called_computation_lowered:
.L_overlay_start_0:
0x88: {  	s2 =	sld [smem:$0x3FD9]  }
0x89: {  	s3 =	sld [smem:$0x3FFE];
	_ =	sdelay $0x1  }
0x8a: {  	s1 =	srdreg.scid  }
0x8b: {  	s0 =	sand.u32 $0x1, s1  }
0x8c: {  	s16 =	sshll.u32 s0, $0xA;
	s2 =	sadd.s32 s3, s2  }
0x8d: {  	s2 =	sadd.s32 s2, s16  }
0x8e: {  	[smem:$0x3FBB] =	sst s2  }
0x8f: {  	_ = 	snop  }
0x90: {  	(tm) =	ssettm $0x1  }
0x91: {  	s17 =	sld [smem:$0x3FFB];
	_ =	sdelay $0x3  }
0x92: {  	_ =	strace s17  }
0x93: {  	s2 =	sld [smem:$0x3FFC];
	_ =	sdelay $0x3  }
0x94: {  	_ =	strace s2  }
0x95: {  	s2 =	sld [smem:$0x3FFD];
	_ =	sdelay $0x3  }
0x96: {  	_ =	strace s2  }
0x97: {  	_ =	strace $0x8FFFFFFF  }
0x98: {  	s18 =	sld [smem:$0x3FDB];
	_ =	sdelay $0x1  }
0x99: {  	s19 =	simm.s32 $_scs_section_size  }
0x9a: {  	s4 =	simm.s32 $_size__tile_overlayer_lowered;
	s5 =	simm.s32 $_tile_overlayer_lowered  }
0x9b: {  	s22 =	simm.s32 $0x1BFF;
	s21 =	sshll.u32 s5, $0x1;
	s2 =	sadd.s32 s19, s18  }
0x9c: {  	s6 =	simm.s32 $0x0;
	s20 =	sshll.u32 s4, $0x1;
	s4 =	sadd.s32 s21, s2  }
0x9d: {  	[timem:s6], [sflag:s22] =	dma.local [hbm:s4], s20  }
0x9e: {  	_ =	swait.ge [sflag:s22], s20  }
0x9f: {  	s3 =	ssub.s32 $0x0, s20;
	[sflag:s22] =	ssyncset.done $0x0  }
0xa0: {  	[sflag:s22] =	ssyncadd.s32 s3;
	_ =	sdelay $0x1  }
0xa1: {  	s23 =	simm.s32 $0x1B8B  }
0xa2: {  	_ =	swait.ge [sflag:s23], $0x1  }
0xa3: {  	[sflag:s23] =	ssyncset.done $0x0  }
0xa4: {  	s25 =	simm.s32 $0x1B8E;
	s24 =	sld [smem:$0x3FFE];
	[sflag:s23] =	ssyncadd.s32 $0xFFFFFFFF  }
0xa5: {  	s26 =	simm.s32 $execute0_lowered;
	[smem:$0x3FD2] =	sst s25  }
0xa6: {  	s4 =	sshll.u32 s26, $0x1;
	_ =	strace $0x80000046;
	[dreg:$0x1] =	wrdreg $0xFFFFFFFF  }
0xa7: {  	s28 =	simm.s32 $_size_execute0_lowered;
	s2 =	sadd.s32 s2, s4;
	[dreg:$0x0] =	wrdreg $0x0  }
0xa8: {  	s4 =	sshll.u32 s28, $0x1;
	[dreg:$0x2] =	wrdreg s2  }
0xa9: {  	[dreg:$0x3] =	wrdreg s4  }
0xaa: {  	[dreg:$0x4] =	wrdreg $0xC0  }
0xab: {  	_ =	task [dreg:s6], $0x5FFFF  }
0xac: {  	[dreg:$0x1] =	wrdreg $0xFFFFFFFF  }
0xad: {  	[dreg:$0x0] =	wrdreg $0x60  }
0xae: {  	[dreg:$0x2] =	wrdreg s24  }
0xaf: {  	[dreg:$0x3] =	wrdreg $0x9  }
0xb0: {  	_ =	task.clear_ibuf [dreg:s6], $0x4FFFF;
	_ =	strace $0x90000046  }
0xb1: {  	s29 =	simm.s32 $0x9;
	_ =	strace $0x80000048  }
0xb2: {  	_ =	swait.ge [sflag:s29], $0x1  }
0xb3: {  	[sflag:s29] =	ssyncadd.s32 $0xFFFFFFFF  }
0xb4: {  	_ =	strace $0x90000048  }
0xb5: {  	_ =	sfence  }
0xb6: {  	s30 =	sld [smem:$0x0];
	_ =	sdelay $0x2  }
0xb7: {  	s31 =	sshll.u32 s1, $0xD;
	s1 =	sshrl.u32 s1, $0x2  }
0xb8: {  	s3 =	sand.u32 $0x4000, s31;
	s1 =	sadd.s32 s1, s30  }
0xb9: {  	s0 =	sor.u32 s3, s0;
	s1 =	sshll.u32 s1, $0x11  }
0xba: {  	s0 =	sor.u32 s1, s0  }
0xbb: {  	s0 =	sadd.s32 $0x8F2B, s0  }
0xbc: {  	[sflag:s0] =	ssyncadd.remote.s32 $0x1  }
0xbd: {  	_ =	sfence.sel $0xFFFF  }
0xbe: {  	[dreg:$0x0] =	wrdreg $0xFFFFFFFF;
	(pc) =	sbr.abs _section_cstart, $3  }
0xbf: {  	[dreg:$0x1] =	wrdreg $0xFFFFFFFF  }
0xc0: {  	_ =	task.clear_ibuf [dreg:s6], $0x2FFFF;
	_ =	strace $0x9FFFFFFF  }
0xc1: {  	(tm) =	ssettm $0x7FFFFFFF  }
tec
execute0_lowered:
.L_overlay_start_1:
0x0: {  	(tag) =	ssettag $0x1  }
0x1: {  	s3 =	rddreg [dreg:$0x0]  }
0x2: {  	s0 =	rddreg [dreg:$0x1]  }
0x3: {  	s2 =	simm.s32 $0x0;
	s4 =	srdreg.scid;
	s1 =	stileid.u32  }
0x4: {  	[smem:$0x7FF] =	sst s2;
	s4 =	sand.u32 $0x1, s4;
	s5 =	sshll.u32 s1, $0x1  }
0x5: {  	s8 =	simm.s32 $0x0;
	_ =	strace $0x80000047;
	s5 =	sor.u32 s4, s5  }
0x6: {  	s4 =	ssub.s32 $0x2, s4;
	s6 =	sshll.u32 s5, $0xC;
	s5 =	sshll.u32 s5, $0x4  }
0x7: {  	s7 =	sshrl.u32 s4, $0x1;
	s6 =	sadd.s32 s6, s3;
	s5 =	sadd.s32 s5, s3  }
0x8: {  	s7 =	ssub.s32 s4, s7;
	s3 =	sadd.s32 $0x1E00, s6;
	s4 =	sadd.s32 $0x21E00, s5  }
0x9: {  	s5 =	smax.u32 s7, $0x1;
	s6 =	simm.s32 $0x1;
	s7 =	simm.s32 $0x8000  }
.LBB2_1:
0xa: {  	[tilespmem:s2], [sflag:$0x1] =	stream.linear.gather [hbm4b:s3+s2], $0x8000, $0x38;
	[tilespmem:$0x8080] =	vst v63  }
0xb: {  	_ =	swait.ge [sflag:s6], $0x8000  }
0xc: {  	[sflag:s6] =	ssyncset.done $0x0  }
0xd: {  	v0 =	vimm.f32 $0.0e+00;
	[sflag:s6] =	ssyncadd.s32 $0xFFFF8000  }
0xe: {  	[tilespmem:$0x8000] =	vst v0  }
0xf: {  	[tilespmem:$0x8010] =	vst v0  }
0x10: {  	[tilespmem:$0x8020] =	vst v0  }
0x11: {  	s9 =	simm.s32 $0x0;
	s10 =	simm.s32 $0x200;
	v3 =	vimm.f32 $0.0e+00;
	v2 =	vimm.f32 $0.0e+00;
	v1 =	vimm.f32 $0.0e+00;
	[tilespmem:$0x8030] =	vst v0  }
.LBB2_2:
0x12: {  	p0 =	sne.s32 s10, $0x1FE00;
	v4 =	vld [tilespmem:s9+$0x0];
	_ =	sdelay $0x4  }
0x13: {  	v0 =	vadd.f32 v4, v0;
	_ =	sdelay $0x1  }
0x14: {  	[tilespmem:$0x8000] =	vst v0  }
0x15: {  	v4 =	vld [tilespmem:s9+$0x10];
	_ =	sdelay $0x4  }
0x16: {  	v3 =	vadd.f32 v4, v3;
	_ =	sdelay $0x1  }
0x17: {  	[tilespmem:$0x8010] =	vst v3  }
0x18: {  	v4 =	vld [tilespmem:s9+$0x20];
	_ =	sdelay $0x4  }
0x19: {  	v2 =	vadd.f32 v4, v2;
	_ =	sdelay $0x1  }
0x1a: {  	[tilespmem:$0x8020] =	vst v2  }
0x1b: {  	v4 =	vld [tilespmem:s9+$0x30];
	_ =	sdelay $0x2  }
.Ltmp0:
0x1c: {  	(pc) =	sbr.rel @p0 .LBB2_2-.Ltmp0, $3  }
0x1d: {  	_ = 	snop  }
0x1e: {  	v1 =	vadd.f32 v4, v1;
	_ =	sdelay $0x1  }
0x1f: {  	s9 =	sshra.s32 s10, $0x2;
	s10 =	sadd.s32 $0x200, s10;
	[tilespmem:$0x8030] =	vst v1  }
0x20: {  	v4 =	vld [tilespmem:s9+$0x0];
	_ =	sdelay $0x4  }
0x21: {  	v0 =	vadd.f32 v4, v0;
	_ =	sdelay $0x1  }
0x22: {  	[tilespmem:$0x8000] =	vst v0  }
0x23: {  	v0 =	vld [tilespmem:s9+$0x10];
	_ =	sdelay $0x4  }
0x24: {  	v0 =	vadd.f32 v0, v3;
	_ =	sdelay $0x1  }
0x25: {  	[tilespmem:$0x8010] =	vst v0  }
0x26: {  	v0 =	vld [tilespmem:s9+$0x20];
	_ =	sdelay $0x4  }
0x27: {  	v0 =	vadd.f32 v0, v2;
	_ =	sdelay $0x1  }
0x28: {  	[tilespmem:$0x8020] =	vst v0  }
0x29: {  	v0 =	vld [tilespmem:s9+$0x30];
	_ =	sdelay $0x4  }
0x2a: {  	s8 =	sadd.s32 $0x1, s8;
	v0 =	vadd.f32 v0, v1  }
0x2b: {  	p0 =	sne.s32 s8, s5  }
.Ltmp1:
0x2c: {  	[tilespmem:$0x8030] =	vst v0;
	(pc) =	sbr.rel @p0 .LBB2_1-.Ltmp1, $4  }
0x2d: {  	[hbm4b:s4+s2] =	stream.linear.scatter [tilespmem:s7], [sflag:$0x1], $0x80, $0x38;
	[tilespmem:$0x8080] =	vst v63  }
0x2e: {  	_ =	swait.ge [sflag:s6], $0x80  }
0x2f: {  	[sflag:s6] =	ssyncset.done $0x0  }
0x30: {  	[sflag:s6] =	ssyncadd.s32 $0xFFFFFF80  }
0x31: {  	_ =	sfence.sel $0x180000  }
0x32: {  	[bflag:$0x0] =	sbarrier.arrive $0xFFFF  }
0x33: {  	p0 =	sne.s32 s1, $0x0;
	_ =	strace $0x90000047  }
0x34: {  	s0 =	sadd.s32 @!p0 $0x100000, s0;
	[bflag:$0x2] =	sbarrier.arrive $0xFFFF  }
0x35: {  	[sflag:s0] =	ssyncadd.tile.s32 @!p0 $0x1;
	_ =	shalt  }
.Lfunc_end2:
_tile_overlayer_lowered:
.L_overlay_start_2:
0x36: {  	(tag) =	ssettag $0x2  }
0x37: {  	s0 =	rddreg [dreg:$0x0];
	s2 =	stileid.u32  }
0x38: {  	s1 =	rddreg [dreg:$0x1];
	p0 =	sne.s32 s2, $0x0  }
0x39: {  	s3 =	rddreg [dreg:$0x2];
	[bflag:$0x3] =	sbarrier.arrive $0xFFFF;
	s2 =	simm.s32 @!p0 $0x1C01  }
0x3a: {  	[timem:s3], [sflag:s2] =	dma.local @!p0 [hbm:s0], s1  }
0x3b: {  	s0 =	simm.s32 @!p0 $0x1  }
0x3c: {  	_ =	swait.ge @!p0 [sflag:s0], s1  }
0x3d: {  	s1 =	ssub.s32 @!p0 $0x0, s1;
	[sflag:s0] =	ssyncset.done @!p0 $0x0  }
0x3e: {  	[sflag:s0] =	ssyncadd.s32 @!p0 s1  }
0x3f: {  	[bflag:$0x3] =	sbarrier.arrive $0xFFFF  }
0x40: {  	_ =	shalt  }

</sc_bundles>
